<compile_context>
chip_gen: v7x
topology: tpu7x:2x2x1
jax: 0.10.2.dev20260603
libtpu: 0.0.44.dev20260713+nightly
codegen_flags: <defaults>
</compile_context>

<pallas_src>
import functools

import jax
import jax.numpy as jnp
from jax import lax
from jax.experimental import pallas as pl
from jax.experimental.pallas import tpu as pltpu
from jax.experimental.pallas import tpu_sc as plsc

N = 10000
E = 320000
D = 128
N_PAD = 10240

NC = 2
NS = 16
NW = NC * NS
CHUNK = 128
CPT = -(-(-(-E // (CHUNK * NW))) // 8) * 8
N_CHUNKS = CPT * NW
E_PAD = N_CHUNKS * CHUNK
ROWS_PER_TILE = N_PAD // NS


def _mesh():
    return plsc.VectorSubcoreMesh(core_axis_name="c", subcore_axis_name="s")


def _hist_body(row_hbm, out_hbm, slab, ones_v, zero_v, hist, sem):
    cid = lax.axis_index("c")
    sid = lax.axis_index("s")
    wid = cid * NS + sid

    def zf(i, _):
        zero_v[pl.ds(i * 16, 16)] = jnp.zeros((16,), jnp.float32)
        return 0
    lax.fori_loop(0, ROWS_PER_TILE // 16, zf, 0)

    def of(i, _):
        ones_v[pl.ds(i * 16, 16)] = jnp.ones((16,), jnp.float32)
        return 0
    lax.fori_loop(0, CHUNK // 16, of, 0)

    pltpu.sync_copy(zero_v, hist.at[pl.ds(sid * ROWS_PER_TILE, ROWS_PER_TILE)])
    pltpu.sync_copy(row_hbm.at[pl.ds(wid * CPT, CPT)], slab)
    plsc.subcore_barrier()

    DEPTH = 8
    for k in range(DEPTH):
        pltpu.async_copy(ones_v, hist.at[slab.at[k]], sem, add=True)

    def body(k, _):
        pltpu.make_async_copy(ones_v, hist.at[slab.at[k]], sem).wait()
        pltpu.async_copy(ones_v, hist.at[slab.at[k + DEPTH]], sem, add=True)
        return 0
    lax.fori_loop(0, CPT - DEPTH, body, 0)

    def drain(k, _):
        pltpu.make_async_copy(ones_v, hist.at[slab.at[k]], sem).wait()
        return 0
    lax.fori_loop(CPT - DEPTH, CPT, drain, 0)

    plsc.subcore_barrier()
    pltpu.sync_copy(
        hist.at[pl.ds(sid * ROWS_PER_TILE, ROWS_PER_TILE)],
        out_hbm.at[cid, pl.ds(sid * ROWS_PER_TILE, ROWS_PER_TILE)],
    )


@jax.jit
def _histogram(row2d):
    return pl.kernel(
        _hist_body,
        out_type=jax.ShapeDtypeStruct((NC, N_PAD), jnp.float32),
        mesh=_mesh(),
        scratch_types=[
            pltpu.VMEM((CPT, CHUNK), jnp.int32),
            pltpu.VMEM((CHUNK,), jnp.float32),
            pltpu.VMEM((ROWS_PER_TILE,), jnp.float32),
            pltpu.VMEM_SHARED((N_PAD,), jnp.float32),
            pltpu.SemaphoreType.DMA,
        ],
    )(row2d)


def _dense_block(x_ref, w_ref, b_ref, hp_ref, sup_ref, d_ref):
    deg = hp_ref[0] + hp_ref[1]
    d = lax.rsqrt(jnp.maximum(deg, 1.0))
    sup = lax.dot_general(
        x_ref[...], w_ref[...], (((1,), (1,)), ((), ())),
        preferred_element_type=jnp.float32,
    ) + b_ref[...]
    sup_ref[...] = sup * d
    d_ref[...] = d


@jax.jit
def _dense(x_pad, w, b2d, hist2):
    blk = 512
    grid = N_PAD // blk
    return pl.pallas_call(
        _dense_block,
        grid=(grid,),
        in_specs=[
            pl.BlockSpec((blk, D), lambda i: (i, 0)),
            pl.BlockSpec((D, D), lambda i: (0, 0)),
            pl.BlockSpec((1, D), lambda i: (0, 0)),
            pl.BlockSpec((NC, blk, 1), lambda i: (0, i, 0)),
        ],
        out_specs=[
            pl.BlockSpec((blk, D), lambda i: (i, 0)),
            pl.BlockSpec((blk, 1), lambda i: (i, 0)),
        ],
        out_shape=[
            jax.ShapeDtypeStruct((N_PAD, D), jnp.float32),
            jax.ShapeDtypeStruct((N_PAD, 1), jnp.float32),
        ],
    )(x_pad, w, b2d, hist2)


def _agg_body(sup_hbm, col_hbm, row_hbm, out_hbm,
              colv, rowv_a, rowv_b, rows_a, rows_b, acc,
              gsem, ssem_a, ssem_b):
    cid = lax.axis_index("c")
    sid = lax.axis_index("s")
    wid = cid * NS + sid

    def zf(i, _):
        def zg(j, _):
            rows_a[i, pl.ds(j * 16, 16)] = jnp.zeros((16,), jnp.float32)
            return 0
        lax.fori_loop(0, D // 16, zg, 0)
        return 0
    lax.fori_loop(0, CHUNK, zf, 0)

    base = sid * ROWS_PER_TILE
    def zc(i, _):
        pltpu.sync_copy(rows_a, acc.at[pl.ds(base + i * CHUNK, CHUNK)])
        return 0
    lax.fori_loop(0, ROWS_PER_TILE // CHUNK, zc, 0)
    plsc.subcore_barrier()

    def slot(k, rowv, rows, ssem):
        e0 = (wid + k * NW) * CHUNK
        pltpu.sync_copy(col_hbm.at[pl.ds(e0, CHUNK)], colv)
        pltpu.async_copy(sup_hbm.at[colv], rows, gsem).wait()
        pltpu.sync_copy(row_hbm.at[pl.ds(e0, CHUNK)], rowv)
        pltpu.async_copy(rows, acc.at[rowv], ssem, add=True)

    def wait_s(rowv, rows, ssem):
        pltpu.make_async_copy(rows, acc.at[rowv], ssem).wait()

    slot(0, rowv_a, rows_a, ssem_a)
    slot(1, rowv_b, rows_b, ssem_b)

    def body(k2, _):
        k = 2 * k2
        wait_s(rowv_a, rows_a, ssem_a)
        slot(k, rowv_a, rows_a, ssem_a)
        wait_s(rowv_b, rows_b, ssem_b)
        slot(k + 1, rowv_b, rows_b, ssem_b)
        return 0
    lax.fori_loop(1, CPT // 2, body, 0)
    wait_s(rowv_a, rows_a, ssem_a)
    wait_s(rowv_b, rows_b, ssem_b)

    plsc.subcore_barrier()
    def wb(i, _):
        pltpu.sync_copy(acc.at[pl.ds(base + i * CHUNK, CHUNK)],
                        out_hbm.at[cid, pl.ds(base + i * CHUNK, CHUNK)])
        return 0
    lax.fori_loop(0, ROWS_PER_TILE // CHUNK, wb, 0)


@jax.jit
def _aggregate(sup, col2d, row2d):
    return pl.kernel(
        _agg_body,
        out_type=jax.ShapeDtypeStruct((NC, N_PAD, D), jnp.float32),
        mesh=_mesh(),
        scratch_types=[
            pltpu.VMEM((CHUNK,), jnp.int32),
            pltpu.VMEM((CHUNK,), jnp.int32),
            pltpu.VMEM((CHUNK,), jnp.int32),
            pltpu.VMEM((CHUNK, D), jnp.float32),
            pltpu.VMEM((CHUNK, D), jnp.float32),
            pltpu.VMEM_SHARED((N_PAD, D), jnp.float32),
            pltpu.SemaphoreType.DMA,
            pltpu.SemaphoreType.DMA,
            pltpu.SemaphoreType.DMA,
        ],
    )(sup, col2d, row2d)


def _fin_block(p_ref, d_ref, o_ref):
    o_ref[...] = (p_ref[0] + p_ref[1]) * d_ref[...]


@jax.jit
def _finalize(partials, d):
    blk = 512
    grid = N_PAD // blk
    return pl.pallas_call(
        _fin_block,
        grid=(grid,),
        in_specs=[
            pl.BlockSpec((NC, blk, D), lambda i: (0, i, 0)),
            pl.BlockSpec((blk, 1), lambda i: (i, 0)),
        ],
        out_specs=pl.BlockSpec((blk, D), lambda i: (i, 0)),
        out_shape=jax.ShapeDtypeStruct((N_PAD, D), jnp.float32),
    )(partials, d)


def kernel(node_features, edge_index, W, b):
    pad = jnp.full((2, E_PAD - E), N, dtype=jnp.int32)
    ei = jnp.concatenate([edge_index, pad], axis=1)
    row2d = ei[0].reshape(N_CHUNKS, CHUNK)
    col2d = ei[1].reshape(N_CHUNKS, CHUNK)
    x_pad = jnp.zeros((N_PAD, D), jnp.float32).at[:N].set(node_features)

    hist = _histogram(row2d)
    hist2 = hist[:, :, None]
    sup, d = _dense(x_pad, W, b.reshape(1, D), hist2)
    partials = _aggregate(sup, ei[1], ei[0])
    out = _finalize(partials, d)
    return out[:N]

# --- scband reference (transcript-rebuilt; emitter-appended) ---
"""Pipeline reference for scband-gcnlayer-32229434589218 (READ-ONLY COPY).

The authoritative reference and input builder live on the scoring server;
editing this copy changes nothing except your own understanding.
"""

import jax, jax.numpy as jnp
import numpy as np

N = 10000
E = 320000
D_IN = 128
D_OUT = 128


def setup_inputs(seed: int = 0) -> dict:
    key = jax.random.key(seed)
    k1, k2, k3 = jax.random.split(key, 3)
    node_features = jax.random.normal(k1, (N, D_IN), dtype=jnp.float32)
    # COO indices of the sparse adjacency matrix (values are implicitly 1.0)
    edge_index = jax.random.randint(k2, (2, E), 0, N, dtype=jnp.int32)
    # nn.Linear(in_dim, out_dim): weight [out, in], xavier_uniform init; bias zeros
    limit = float(np.sqrt(6.0 / (D_IN + D_OUT)))
    W = jax.random.uniform(k3, (D_OUT, D_IN), minval=-limit, maxval=limit, dtype=jnp.float32)
    b = jnp.zeros((D_OUT,), dtype=jnp.float32)
    return {"node_features": node_features, "edge_index": edge_index, "W": W, "b": b}


def reference(node_features, edge_index, W, b):
    row = edge_index[0]
    col = edge_index[1]
    vals = jnp.ones((E,), dtype=jnp.float32)
    # row_sum = torch.sparse.sum(adj, dim=1)
    row_sum = jax.ops.segment_sum(vals, row, num_segments=N)
    row_sum = jnp.where(row_sum > 0, row_sum, jnp.ones_like(row_sum))
    d_inv_sqrt = jnp.power(row_sum, -0.5)
    # norm_adj = D^{-1/2} (A D^{-1/2}): per-edge weight d[row]*1.0*d[col]
    edge_w = d_inv_sqrt[row] * vals * d_inv_sqrt[col]
    # support = Linear(node_features); dropout is identity at inference
    support = node_features @ W.T + b
    # output = norm_adj @ support  (sparse mm as gather + scatter-add)
    msg = edge_w[:, None] * jnp.take(support, col, axis=0)
    output = jnp.zeros((N, D_OUT), dtype=jnp.float32).at[row].add(msg)
    return output

if __name__ == "__main__":
    import jax
    _d = setup_inputs()
    print(jax.jit(kernel)(*tuple(_d.values())))

</pallas_src>

<mosaic_0001>
#map = affine_map<(d0, d1) -> (0, 0)>
module attributes {stable_mosaic.version = 14 : i64} {
  func.func @_hist_body(%arg0: i32, %arg1: i32, %arg2: memref<2560x128xi32, #tpu.memory_space<hbm>>, %arg3: memref<2x10240xf32, #tpu.memory_space<hbm>>, %arg4: memref<80x128xi32, #tpu.memory_space<vmem>>, %arg5: memref<128xf32, #tpu.memory_space<vmem>>, %arg6: memref<640xf32, #tpu.memory_space<vmem>>, %arg7: memref<10240xf32, #tpu.memory_space<vmem_shared>>, %arg8: memref<!tpu.dma_semaphore, #tpu.memory_space<semaphore_mem>>) attributes {dimension_semantics = [#tpu.dimension_semantics<core_parallel>, #tpu.dimension_semantics<subcore_parallel>], iteration_bounds = array<i64: 2, 16>, scalar_prefetch = 0 : i64, scratch_operands = 5 : i64, tpu.core_type = #tpu.core_type<sc_vector_subcore>, window_params = [{transform_indices = #map}, {transform_indices = #map}]} {
    %mul3A = arith.constant 16 : i32
    %mul3A_0 = arith.muli %arg0, %mul3A : i32
    %add3A = arith.addi %mul3A_0, %arg1 : i32
    %scan3A = arith.constant 0 : i32
    %scan3A_1 = arith.constant 0 : i32
    %scan3A_2 = arith.constant 40 : i32
    %scan3A_3 = arith.addi %scan3A_1, %scan3A_2 : i32
    %scan3A_4 = arith.constant 1 : i32
    %scan3A_5 = scf.for %scan3A_84 = %scan3A_1 to %scan3A_3 step %scan3A_4 iter_args(%scan3A_85 = %scan3A) -> (i32)  : i32 {
      %broadcast_in_dim3A = arith.constant 0.000000e+00 : f32
      %broadcast_in_dim3A_86 = vector.broadcast %broadcast_in_dim3A : f32 to vector<16xf32>
      %mul3A_87 = arith.constant 16 : i32
      %mul3A_88 = arith.muli %scan3A_84, %mul3A_87 : i32
      %swap3A = arith.index_cast %mul3A_88 : i32 to index
      %swap3A_89 = tpu.vector_load %arg6[%swap3A] {strides = array<i32>} : memref<640xf32, #tpu.memory_space<vmem>>, vector<16xf32>,
      %swap3A_90 = vector.shape_cast %swap3A_89 : vector<16xf32> to vector<16xf32>
      %swap3A_91 = vector.shape_cast %broadcast_in_dim3A_86 : vector<16xf32> to vector<16xf32>
      tpu.vector_store %arg6[%swap3A], %swap3A_91 {strides = array<i32>} : memref<640xf32, #tpu.memory_space<vmem>>, vector<16xf32>,
      %scan3A_92 = arith.constant 0 : i32
      scf.yield %scan3A_92 : i32
    }
    %scan3A_6 = arith.constant 40 : i32
    %scan3A_7 = arith.constant 0 : i32
    %scan3A_8 = arith.constant 0 : i32
    %scan3A_9 = arith.constant 8 : i32
    %scan3A_10 = arith.addi %scan3A_8, %scan3A_9 : i32
    %scan3A_11 = arith.constant 1 : i32
    %scan3A_12 = scf.for %scan3A_84 = %scan3A_8 to %scan3A_10 step %scan3A_11 iter_args(%scan3A_85 = %scan3A_7) -> (i32)  : i32 {
      %broadcast_in_dim3A = arith.constant 1.000000e+00 : f32
      %broadcast_in_dim3A_86 = vector.broadcast %broadcast_in_dim3A : f32 to vector<16xf32>
      %mul3A_87 = arith.constant 16 : i32
      %mul3A_88 = arith.muli %scan3A_84, %mul3A_87 : i32
      %swap3A = arith.index_cast %mul3A_88 : i32 to index
      %swap3A_89 = tpu.vector_load %arg5[%swap3A] {strides = array<i32>} : memref<128xf32, #tpu.memory_space<vmem>>, vector<16xf32>,
      %swap3A_90 = vector.shape_cast %swap3A_89 : vector<16xf32> to vector<16xf32>
      %swap3A_91 = vector.shape_cast %broadcast_in_dim3A_86 : vector<16xf32> to vector<16xf32>
      tpu.vector_store %arg5[%swap3A], %swap3A_91 {strides = array<i32>} : memref<128xf32, #tpu.memory_space<vmem>>, vector<16xf32>,
      %scan3A_92 = arith.constant 0 : i32
      scf.yield %scan3A_92 : i32
    }
    %scan3A_13 = arith.constant 8 : i32
    %mul3A_14 = arith.constant 640 : i32
    %mul3A_15 = arith.muli %arg1, %mul3A_14 : i32
    "tpu.region"() ({
      %run_scoped3A = tpu.sem_alloc : memref<!tpu.dma_semaphore, #tpu.memory_space<semaphore_mem>>
      %dma_start3A_84 = tpu.memref_slice %arg7[%mul3A_15] : memref<10240xf32, #tpu.memory_space<vmem_shared>> -> memref<640xf32, #tpu.memory_space<vmem_shared>>
      %dma_start3A_85 = tpu.memref_slice %arg7[%mul3A_15] : memref<10240xf32, #tpu.memory_space<vmem_shared>> -> memref<640xf32, #tpu.memory_space<vmem_shared>>
      tpu.enqueue_dma source(%arg6 : memref<640xf32, #tpu.memory_space<vmem>>) target(%dma_start3A_85 : memref<640xf32, #tpu.memory_space<vmem_shared>>) target_semaphore(%run_scoped3A : memref<!tpu.dma_semaphore, #tpu.memory_space<semaphore_mem>>)
      %dma_wait3A = tpu.memref_slice %arg7[%mul3A_15] : memref<10240xf32, #tpu.memory_space<vmem_shared>> -> memref<640xf32, #tpu.memory_space<vmem_shared>>
      %dma_wait3A_86 = tpu.memref_slice %arg7[%mul3A_15] : memref<10240xf32, #tpu.memory_space<vmem_shared>> -> memref<640xf32, #tpu.memory_space<vmem_shared>>
      tpu.wait_dma2 semaphore(%run_scoped3A : memref<!tpu.dma_semaphore, #tpu.memory_space<semaphore_mem>>) src(%arg6 : memref<640xf32, #tpu.memory_space<vmem>>) dst(%dma_wait3A_86 : memref<640xf32, #tpu.memory_space<vmem_shared>>)
      tpu.yield
    }) : () -> ()
    %mul3A_16 = arith.constant 80 : i32
    %mul3A_17 = arith.muli %add3A, %mul3A_16 : i32
    "tpu.region"() ({
      %run_scoped3A = tpu.sem_alloc : memref<!tpu.dma_semaphore, #tpu.memory_space<semaphore_mem>>
      %dma_start3A_84 = arith.constant 0 : i32
      %dma_start3A_85 = tpu.memref_slice %arg2[%mul3A_17, %dma_start3A_84] : memref<2560x128xi32, #tpu.memory_space<hbm>> -> memref<80x128xi32, #tpu.memory_space<hbm>>
      %dma_start3A_86 = arith.constant 0 : i32
      %dma_start3A_87 = tpu.memref_slice %arg2[%mul3A_17, %dma_start3A_86] : memref<2560x128xi32, #tpu.memory_space<hbm>> -> memref<80x128xi32, #tpu.memory_space<hbm>>
      tpu.enqueue_dma source(%dma_start3A_87 : memref<80x128xi32, #tpu.memory_space<hbm>>) target(%arg4 : memref<80x128xi32, #tpu.memory_space<vmem>>) target_semaphore(%run_scoped3A : memref<!tpu.dma_semaphore, #tpu.memory_space<semaphore_mem>>)
      %dma_wait3A = arith.constant 0 : i32
      %dma_wait3A_88 = tpu.memref_slice %arg2[%mul3A_17, %dma_wait3A] : memref<2560x128xi32, #tpu.memory_space<hbm>> -> memref<80x128xi32, #tpu.memory_space<hbm>>
      %dma_wait3A_89 = arith.constant 0 : i32
      %dma_wait3A_90 = tpu.memref_slice %arg2[%mul3A_17, %dma_wait3A_89] : memref<2560x128xi32, #tpu.memory_space<hbm>> -> memref<80x128xi32, #tpu.memory_space<hbm>>
      tpu.wait_dma2 semaphore(%run_scoped3A : memref<!tpu.dma_semaphore, #tpu.memory_space<semaphore_mem>>) src(%dma_wait3A_90 : memref<80x128xi32, #tpu.memory_space<hbm>>) dst(%arg4 : memref<80x128xi32, #tpu.memory_space<vmem>>)
      tpu.yield
    }) : () -> ()
    %barrier3A = arith.constant 0 : index
    tpu.barrier barrier_id(%barrier3A)
    %dma_start3A = arith.constant 0 : i32
    %dma_start3A_18 = arith.constant 0 : i32
    %dma_start3A_19 = tpu.memref_slice %arg4[%dma_start3A, %dma_start3A_18] : memref<80x128xi32, #tpu.memory_space<vmem>> -> memref<1x128xi32, #tpu.memory_space<vmem>>
    %dma_start3A_20 = tpu.memref_squeeze %dma_start3A_19 : memref<1x128xi32, #tpu.memory_space<vmem>> -> memref<128xi32, #tpu.memory_space<vmem>>
    %dma_start3A_21 = arith.constant 0 : i32
    %dma_start3A_22 = tpu.memref_slice %arg7[%dma_start3A_21] : memref<10240xf32, #tpu.memory_space<vmem_shared>> -> memref<10240xf32, #tpu.memory_space<vmem_shared>>
    tpu.enqueue_indirect_dma source(%arg5 : memref<128xf32, #tpu.memory_space<vmem>>) target(%dma_start3A_22 : memref<10240xf32, #tpu.memory_space<vmem_shared>>) offsets(%dma_start3A_20 : memref<128xi32, #tpu.memory_space<vmem>>) semaphore(%arg8 : memref<!tpu.dma_semaphore, #tpu.memory_space<semaphore_mem>>) {add = true}
    %dma_start3A_23 = arith.constant 1 : i32
    %dma_start3A_24 = arith.constant 0 : i32
    %dma_start3A_25 = tpu.memref_slice %arg4[%dma_start3A_23, %dma_start3A_24] : memref<80x128xi32, #tpu.memory_space<vmem>> -> memref<1x128xi32, #tpu.memory_space<vmem>>
    %dma_start3A_26 = tpu.memref_squeeze %dma_start3A_25 : memref<1x128xi32, #tpu.memory_space<vmem>> -> memref<128xi32, #tpu.memory_space<vmem>>
    %dma_start3A_27 = arith.constant 0 : i32
    %dma_start3A_28 = tpu.memref_slice %arg7[%dma_start3A_27] : memref<10240xf32, #tpu.memory_space<vmem_shared>> -> memref<10240xf32, #tpu.memory_space<vmem_shared>>
    tpu.enqueue_indirect_dma source(%arg5 : memref<128xf32, #tpu.memory_space<vmem>>) target(%dma_start3A_28 : memref<10240xf32, #tpu.memory_space<vmem_shared>>) offsets(%dma_start3A_26 : memref<128xi32, #tpu.memory_space<vmem>>) semaphore(%arg8 : memref<!tpu.dma_semaphore, #tpu.memory_space<semaphore_mem>>) {add = true}
    %dma_start3A_29 = arith.constant 2 : i32
    %dma_start3A_30 = arith.constant 0 : i32
    %dma_start3A_31 = tpu.memref_slice %arg4[%dma_start3A_29, %dma_start3A_30] : memref<80x128xi32, #tpu.memory_space<vmem>> -> memref<1x128xi32, #tpu.memory_space<vmem>>
    %dma_start3A_32 = tpu.memref_squeeze %dma_start3A_31 : memref<1x128xi32, #tpu.memory_space<vmem>> -> memref<128xi32, #tpu.memory_space<vmem>>
    %dma_start3A_33 = arith.constant 0 : i32
    %dma_start3A_34 = tpu.memref_slice %arg7[%dma_start3A_33] : memref<10240xf32, #tpu.memory_space<vmem_shared>> -> memref<10240xf32, #tpu.memory_space<vmem_shared>>
    tpu.enqueue_indirect_dma source(%arg5 : memref<128xf32, #tpu.memory_space<vmem>>) target(%dma_start3A_34 : memref<10240xf32, #tpu.memory_space<vmem_shared>>) offsets(%dma_start3A_32 : memref<128xi32, #tpu.memory_space<vmem>>) semaphore(%arg8 : memref<!tpu.dma_semaphore, #tpu.memory_space<semaphore_mem>>) {add = true}
    %dma_start3A_35 = arith.constant 3 : i32
    %dma_start3A_36 = arith.constant 0 : i32
    %dma_start3A_37 = tpu.memref_slice %arg4[%dma_start3A_35, %dma_start3A_36] : memref<80x128xi32, #tpu.memory_space<vmem>> -> memref<1x128xi32, #tpu.memory_space<vmem>>
    %dma_start3A_38 = tpu.memref_squeeze %dma_start3A_37 : memref<1x128xi32, #tpu.memory_space<vmem>> -> memref<128xi32, #tpu.memory_space<vmem>>
    %dma_start3A_39 = arith.constant 0 : i32
    %dma_start3A_40 = tpu.memref_slice %arg7[%dma_start3A_39] : memref<10240xf32, #tpu.memory_space<vmem_shared>> -> memref<10240xf32, #tpu.memory_space<vmem_shared>>
    tpu.enqueue_indirect_dma source(%arg5 : memref<128xf32, #tpu.memory_space<vmem>>) target(%dma_start3A_40 : memref<10240xf32, #tpu.memory_space<vmem_shared>>) offsets(%dma_start3A_38 : memref<128xi32, #tpu.memory_space<vmem>>) semaphore(%arg8 : memref<!tpu.dma_semaphore, #tpu.memory_space<semaphore_mem>>) {add = true}
    %dma_start3A_41 = arith.constant 4 : i32
    %dma_start3A_42 = arith.constant 0 : i32
    %dma_start3A_43 = tpu.memref_slice %arg4[%dma_start3A_41, %dma_start3A_42] : memref<80x128xi32, #tpu.memory_space<vmem>> -> memref<1x128xi32, #tpu.memory_space<vmem>>
    %dma_start3A_44 = tpu.memref_squeeze %dma_start3A_43 : memref<1x128xi32, #tpu.memory_space<vmem>> -> memref<128xi32, #tpu.memory_space<vmem>>
    %dma_start3A_45 = arith.constant 0 : i32
    %dma_start3A_46 = tpu.memref_slice %arg7[%dma_start3A_45] : memref<10240xf32, #tpu.memory_space<vmem_shared>> -> memref<10240xf32, #tpu.memory_space<vmem_shared>>
    tpu.enqueue_indirect_dma source(%arg5 : memref<128xf32, #tpu.memory_space<vmem>>) target(%dma_start3A_46 : memref<10240xf32, #tpu.memory_space<vmem_shared>>) offsets(%dma_start3A_44 : memref<128xi32, #tpu.memory_space<vmem>>) semaphore(%arg8 : memref<!tpu.dma_semaphore, #tpu.memory_space<semaphore_mem>>) {add = true}
    %dma_start3A_47 = arith.constant 5 : i32
    %dma_start3A_48 = arith.constant 0 : i32
    %dma_start3A_49 = tpu.memref_slice %arg4[%dma_start3A_47, %dma_start3A_48] : memref<80x128xi32, #tpu.memory_space<vmem>> -> memref<1x128xi32, #tpu.memory_space<vmem>>
    %dma_start3A_50 = tpu.memref_squeeze %dma_start3A_49 : memref<1x128xi32, #tpu.memory_space<vmem>> -> memref<128xi32, #tpu.memory_space<vmem>>
    %dma_start3A_51 = arith.constant 0 : i32
    %dma_start3A_52 = tpu.memref_slice %arg7[%dma_start3A_51] : memref<10240xf32, #tpu.memory_space<vmem_shared>> -> memref<10240xf32, #tpu.memory_space<vmem_shared>>
    tpu.enqueue_indirect_dma source(%arg5 : memref<128xf32, #tpu.memory_space<vmem>>) target(%dma_start3A_52 : memref<10240xf32, #tpu.memory_space<vmem_shared>>) offsets(%dma_start3A_50 : memref<128xi32, #tpu.memory_space<vmem>>) semaphore(%arg8 : memref<!tpu.dma_semaphore, #tpu.memory_space<semaphore_mem>>) {add = true}
    %dma_start3A_53 = arith.constant 6 : i32
    %dma_start3A_54 = arith.constant 0 : i32
    %dma_start3A_55 = tpu.memref_slice %arg4[%dma_start3A_53, %dma_start3A_54] : memref<80x128xi32, #tpu.memory_space<vmem>> -> memref<1x128xi32, #tpu.memory_space<vmem>>
    %dma_start3A_56 = tpu.memref_squeeze %dma_start3A_55 : memref<1x128xi32, #tpu.memory_space<vmem>> -> memref<128xi32, #tpu.memory_space<vmem>>
    %dma_start3A_57 = arith.constant 0 : i32
    %dma_start3A_58 = tpu.memref_slice %arg7[%dma_start3A_57] : memref<10240xf32, #tpu.memory_space<vmem_shared>> -> memref<10240xf32, #tpu.memory_space<vmem_shared>>
    tpu.enqueue_indirect_dma source(%arg5 : memref<128xf32, #tpu.memory_space<vmem>>) target(%dma_start3A_58 : memref<10240xf32, #tpu.memory_space<vmem_shared>>) offsets(%dma_start3A_56 : memref<128xi32, #tpu.memory_space<vmem>>) semaphore(%arg8 : memref<!tpu.dma_semaphore, #tpu.memory_space<semaphore_mem>>) {add = true}
    %dma_start3A_59 = arith.constant 7 : i32
    %dma_start3A_60 = arith.constant 0 : i32
    %dma_start3A_61 = tpu.memref_slice %arg4[%dma_start3A_59, %dma_start3A_60] : memref<80x128xi32, #tpu.memory_space<vmem>> -> memref<1x128xi32, #tpu.memory_space<vmem>>
    %dma_start3A_62 = tpu.memref_squeeze %dma_start3A_61 : memref<1x128xi32, #tpu.memory_space<vmem>> -> memref<128xi32, #tpu.memory_space<vmem>>
    %dma_start3A_63 = arith.constant 0 : i32
    %dma_start3A_64 = tpu.memref_slice %arg7[%dma_start3A_63] : memref<10240xf32, #tpu.memory_space<vmem_shared>> -> memref<10240xf32, #tpu.memory_space<vmem_shared>>
    tpu.enqueue_indirect_dma source(%arg5 : memref<128xf32, #tpu.memory_space<vmem>>) target(%dma_start3A_64 : memref<10240xf32, #tpu.memory_space<vmem_shared>>) offsets(%dma_start3A_62 : memref<128xi32, #tpu.memory_space<vmem>>) semaphore(%arg8 : memref<!tpu.dma_semaphore, #tpu.memory_space<semaphore_mem>>) {add = true}
    %scan3A_65 = arith.constant 0 : i32
    %scan3A_66 = arith.constant 0 : i32
    %scan3A_67 = arith.constant 72 : i32
    %scan3A_68 = arith.addi %scan3A_66, %scan3A_67 : i32
    %scan3A_69 = arith.constant 1 : i32
    %scan3A_70 = scf.for %scan3A_84 = %scan3A_66 to %scan3A_68 step %scan3A_69 iter_args(%scan3A_85 = %scan3A_65) -> (i32)  : i32 {
      %dma_wait3A = arith.constant 0 : i32
      %dma_wait3A_86 = tpu.memref_slice %arg4[%scan3A_84, %dma_wait3A] : memref<80x128xi32, #tpu.memory_space<vmem>> -> memref<1x128xi32, #tpu.memory_space<vmem>>
      %dma_wait3A_87 = tpu.memref_squeeze %dma_wait3A_86 : memref<1x128xi32, #tpu.memory_space<vmem>> -> memref<128xi32, #tpu.memory_space<vmem>>
      %dma_wait3A_88 = arith.constant 0 : i32
      %dma_wait3A_89 = tpu.memref_slice %arg7[%dma_wait3A_88] : memref<10240xf32, #tpu.memory_space<vmem_shared>> -> memref<10240xf32, #tpu.memory_space<vmem_shared>>
      tpu.wait_indirect_dma semaphore(%arg8 : memref<!tpu.dma_semaphore, #tpu.memory_space<semaphore_mem>>) src(%arg5 : memref<128xf32, #tpu.memory_space<vmem>>) dst(%dma_wait3A_89 : memref<10240xf32, #tpu.memory_space<vmem_shared>>)
      %add3A_90 = arith.constant 8 : i32
      %add3A_91 = arith.addi %scan3A_84, %add3A_90 : i32
      %dma_start3A_92 = arith.constant 0 : i32
      %dma_start3A_93 = tpu.memref_slice %arg4[%add3A_91, %dma_start3A_92] : memref<80x128xi32, #tpu.memory_space<vmem>> -> memref<1x128xi32, #tpu.memory_space<vmem>>
      %dma_start3A_94 = tpu.memref_squeeze %dma_start3A_93 : memref<1x128xi32, #tpu.memory_space<vmem>> -> memref<128xi32, #tpu.memory_space<vmem>>
      %dma_start3A_95 = arith.constant 0 : i32
      %dma_start3A_96 = tpu.memref_slice %arg7[%dma_start3A_95] : memref<10240xf32, #tpu.memory_space<vmem_shared>> -> memref<10240xf32, #tpu.memory_space<vmem_shared>>
      tpu.enqueue_indirect_dma source(%arg5 : memref<128xf32, #tpu.memory_space<vmem>>) target(%dma_start3A_96 : memref<10240xf32, #tpu.memory_space<vmem_shared>>) offsets(%dma_start3A_94 : memref<128xi32, #tpu.memory_space<vmem>>) semaphore(%arg8 : memref<!tpu.dma_semaphore, #tpu.memory_space<semaphore_mem>>) {add = true}
      %scan3A_97 = arith.constant 0 : i32
      scf.yield %scan3A_97 : i32
    }
    %scan3A_71 = arith.constant 72 : i32
    %scan3A_72 = arith.constant 0 : i32
    %scan3A_73 = arith.constant 72 : i32
    %scan3A_74 = arith.constant 8 : i32
    %scan3A_75 = arith.addi %scan3A_73, %scan3A_74 : i32
    %scan3A_76 = arith.constant 1 : i32
    %scan3A_77 = scf.for %scan3A_84 = %scan3A_73 to %scan3A_75 step %scan3A_76 iter_args(%scan3A_85 = %scan3A_72) -> (i32)  : i32 {
      %dma_wait3A = arith.constant 0 : i32
      %dma_wait3A_86 = tpu.memref_slice %arg4[%scan3A_84, %dma_wait3A] : memref<80x128xi32, #tpu.memory_space<vmem>> -> memref<1x128xi32, #tpu.memory_space<vmem>>
      %dma_wait3A_87 = tpu.memref_squeeze %dma_wait3A_86 : memref<1x128xi32, #tpu.memory_space<vmem>> -> memref<128xi32, #tpu.memory_space<vmem>>
      %dma_wait3A_88 = arith.constant 0 : i32
      %dma_wait3A_89 = tpu.memref_slice %arg7[%dma_wait3A_88] : memref<10240xf32, #tpu.memory_space<vmem_shared>> -> memref<10240xf32, #tpu.memory_space<vmem_shared>>
      tpu.wait_indirect_dma semaphore(%arg8 : memref<!tpu.dma_semaphore, #tpu.memory_space<semaphore_mem>>) src(%arg5 : memref<128xf32, #tpu.memory_space<vmem>>) dst(%dma_wait3A_89 : memref<10240xf32, #tpu.memory_space<vmem_shared>>)
      %scan3A_90 = arith.constant 0 : i32
      scf.yield %scan3A_90 : i32
    }
    %scan3A_78 = arith.constant 8 : i32
    %barrier3A_79 = arith.constant 0 : index
    tpu.barrier barrier_id(%barrier3A_79)
    %mul3A_80 = arith.constant 640 : i32
    %mul3A_81 = arith.muli %arg1, %mul3A_80 : i32
    %mul3A_82 = arith.constant 640 : i32
    %mul3A_83 = arith.muli %arg1, %mul3A_82 : i32
    "tpu.region"() ({
      %run_scoped3A = tpu.sem_alloc : memref<!tpu.dma_semaphore, #tpu.memory_space<semaphore_mem>>
      %dma_start3A_84 = tpu.memref_slice %arg3[%arg0, %mul3A_83] : memref<2x10240xf32, #tpu.memory_space<hbm>> -> memref<1x640xf32, #tpu.memory_space<hbm>>
      %dma_start3A_85 = tpu.memref_squeeze %dma_start3A_84 : memref<1x640xf32, #tpu.memory_space<hbm>> -> memref<640xf32, #tpu.memory_space<hbm>>
      %dma_start3A_86 = tpu.memref_slice %arg7[%mul3A_81] : memref<10240xf32, #tpu.memory_space<vmem_shared>> -> memref<640xf32, #tpu.memory_space<vmem_shared>>
      tpu.enqueue_dma source(%dma_start3A_86 : memref<640xf32, #tpu.memory_space<vmem_shared>>) target(%dma_start3A_85 : memref<640xf32, #tpu.memory_space<hbm>>) target_semaphore(%run_scoped3A : memref<!tpu.dma_semaphore, #tpu.memory_space<semaphore_mem>>)
      %dma_wait3A = tpu.memref_slice %arg3[%arg0, %mul3A_83] : memref<2x10240xf32, #tpu.memory_space<hbm>> -> memref<1x640xf32, #tpu.memory_space<hbm>>
      %dma_wait3A_87 = tpu.memref_squeeze %dma_wait3A : memref<1x640xf32, #tpu.memory_space<hbm>> -> memref<640xf32, #tpu.memory_space<hbm>>
      %dma_wait3A_88 = tpu.memref_slice %arg7[%mul3A_81] : memref<10240xf32, #tpu.memory_space<vmem_shared>> -> memref<640xf32, #tpu.memory_space<vmem_shared>>
      tpu.wait_dma2 semaphore(%run_scoped3A : memref<!tpu.dma_semaphore, #tpu.memory_space<semaphore_mem>>) src(%dma_wait3A_88 : memref<640xf32, #tpu.memory_space<vmem_shared>>) dst(%dma_wait3A_87 : memref<640xf32, #tpu.memory_space<hbm>>)
      tpu.yield
    }) : () -> ()
    return
  }
}

</mosaic_0001>

<sc_bundles>
// kernel: _histogram.3.cloned.1.call-start
scs
__scs_entry_jumppad:
0x0: {  	(pc) =	sbr.rel $0x88, $3  }
0x1: {  	(tag) =	ssettag $0x0;
	lr =	simm.s32 $0x1  }
0x2: {  	[smem:$0x3FA0] =	sst lr;
	_ =	strace $0xD0000000  }
0x3: {  	_ = 	snop  }
0x4: {  	_ = 	snop  }
0x5: {  	_ = 	snop  }
0x6: {  	_ = 	snop  }
0x7: {  	_ = 	snop  }
__scs_overlays_trampoline_lowered:
0x8: {  	[smem:$0x3FAF] =	sst s0  }
0x9: {  	[smem:$0x3FB0] =	sst s1  }
0xa: {  	[smem:$0x3FB1] =	sst s2  }
0xb: {  	[smem:$0x3FB2] =	sst s3  }
0xc: {  	[smem:$0x3FB3] =	sst s4  }
0xd: {  	[smem:$0x3FB4] =	sst s5  }
0xe: {  	[smem:$0x3FB5] =	sst s6  }
0xf: {  	[smem:$0x3FB6] =	sst s7  }
0x10: {  	[smem:$0x3FB7] =	sst s8  }
0x11: {  	[smem:$0x3FB8] =	sst s9;
	s0 =	simm.s32 @!p0 $0x0  }
0x12: {  	s1 =	sld [smem:$0x3F9E];
	s0 =	simm.s32 @p0 $0x1  }
0x13: {  	[smem:$0x3FB9] =	sst s0;
	s0 =	simm.s32 @!p1 $0x0  }
0x14: {  	s2 =	sld [smem:$0x3F9D];
	s0 =	simm.s32 @p1 $0x1  }
0x15: {  	[smem:$0x3FBA] =	sst s0;
	s0 =	simm.s32 @!p2 $0x0  }
0x16: {  	s3 =	sld [smem:$0x3FDB];
	s0 =	simm.s32 @p2 $0x1  }
0x17: {  	s4 =	simm.s32 $0x1BF5;
	[smem:$0x3FBC] =	sst s0  }
0x18: {  	s0 =	sld [smem:$0x3F9F];
	_ =	swait.ge [sflag:s4], $0x0  }
0x19: {  	s7 =	sld [smem:$0x3FA0]  }
0x1a: {  	s8 =	sadd.s32 $0xFFFFE003, lr  }
0x1b: {  	s9 =	sadd.s32 $0xFFFFFEF7, lr;
	s5 =	simm.s32 $0xFFFFFFFF;
	p2 =	slt.u32 s8, $0xFFFFF086  }
0x1c: {  	p1 =	slt.u32 s9, $0xF7A;
	s5 =	simm.s32 @!p2 $0x0  }
0x1d: {  	s5 =	simm.s32 @p1 $0x1;
	p0 =	seq.s32 s7, s2  }
0x1e: {  	s7 =	smul.u32 @!p0 $0xF7A, s2;
	p2 =	seq.s32 @!p0 s5, $0x0  }
0x1f: {  	s9 =	smul.u32 $0xF7A, s1;
	s8 =	simm.s32 @!p0 $0x1BF5;
	p2 =	por !p2, p0  }
0x20: {  	[sflag:s8] =	ssyncset.s32 @!p0 $0xFFFFF086;
	s6 =	sadd.s32 @!p0 s3, s7;
	s7 =	simm.s32 @!p0 $0x108  }
0x21: {  	s3 =	sadd.s32 s3, s9;
	s6 =	sadd.s32 @!p0 $0x88, s6;
	s7 =	simm.s32 @p2 $0x1082  }
0x22: {  	[simem:s7], [sflag:s8] =	dma.local @!p0 [hbm:s6], $0xF7A  }
0x23: {  	s9 =	sor.u32 $0xD0000000, s2;
	s6 =	simm.s32 $0x108;
	_ =	swait.ge @!p0 [sflag:s8], $0x0  }
0x24: {  	s3 =	sadd.s32 $0x88, s3;
	s6 =	simm.s32 @!p1 $0x1082;
	[sflag:s4] =	ssyncset.s32 $0xFFFFF086  }
0x25: {  	[simem:s6], [sflag:s4] =	dma.local [hbm:s3], $0xF7A  }
0x26: {  	[smem:$0x3FA0] =	sst s1;
	(tag) =	ssettag s2;
	_ =	strace s9  }
0x27: {  	s1 =	sld [smem:$0x3FB0]  }
0x28: {  	s2 =	sld [smem:$0x3FB1]  }
0x29: {  	s4 =	sld [smem:$0x3FB3]  }
0x2a: {  	p0 =	seq.s32 s5, $0x0;
	s5 =	sld [smem:$0x3FB4]  }
0x2b: {  	s6 =	sld [smem:$0x3FB5]  }
0x2c: {  	s7 =	sld [smem:$0x3FB6]  }
0x2d: {  	s3 =	simm.s32 $0x108;
	s8 =	sld [smem:$0x3FB7]  }
0x2e: {  	s3 =	simm.s32 @!p0 $0x1082;
	s9 =	sld [smem:$0x3FB8]  }
0x2f: {  	lr =	sadd.s32 s0, s3;
	s0 =	sld [smem:$0x3FAF]  }
0x30: {  	s3 =	sld [smem:$0x3FB2]  }
0x31: {  	[smem:$0x3FBB] =	sst s10  }
0x32: {  	s10 =	sld [smem:$0x3FB9];
	_ =	sdelay $0x3  }
0x33: {  	p0 =	seq.s32 s10, $0x1;
	s10 =	sld [smem:$0x3FBB];
	_ =	sdelay $0x3  }
0x34: {  	[smem:$0x3FBB] =	sst s10  }
0x35: {  	s10 =	sld [smem:$0x3FBA];
	_ =	sdelay $0x3  }
0x36: {  	p1 =	seq.s32 s10, $0x1;
	s10 =	sld [smem:$0x3FBB];
	_ =	sdelay $0x3  }
0x37: {  	[smem:$0x3FBB] =	sst s10  }
0x38: {  	s10 =	sld [smem:$0x3FBC]  }
0x39: {  	_ = 	snop;
	(pc) =	sbr.ind lr, $3  }
0x3a: {  	_ = 	snop  }
0x3b: {  	_ = 	snop  }
0x3c: {  	p2 =	seq.s32 s10, $0x1;
	s10 =	sld [smem:$0x3FBB]  }
0x3d: {  	_ =	shalt  }
0x3e: {  	_ =	shalt  }
0x3f: {  	_ =	shalt  }
0x40: {  	_ =	shalt  }
0x41: {  	_ =	shalt  }
0x42: {  	_ =	shalt  }
0x43: {  	_ =	shalt  }
0x44: {  	_ =	shalt  }
0x45: {  	_ =	shalt  }
0x46: {  	_ =	shalt  }
0x47: {  	_ =	shalt  }
0x48: {  	_ =	shalt  }
0x49: {  	_ =	shalt  }
0x4a: {  	_ =	shalt  }
0x4b: {  	_ =	shalt  }
0x4c: {  	_ =	shalt  }
0x4d: {  	_ =	shalt  }
0x4e: {  	_ =	shalt  }
0x4f: {  	_ =	shalt  }
0x50: {  	_ =	shalt  }
0x51: {  	_ =	shalt  }
0x52: {  	_ =	shalt  }
0x53: {  	_ =	shalt  }
0x54: {  	_ =	shalt  }
0x55: {  	_ =	shalt  }
0x56: {  	_ =	shalt  }
0x57: {  	_ =	shalt  }
0x58: {  	_ =	shalt  }
0x59: {  	_ =	shalt  }
0x5a: {  	_ =	shalt  }
0x5b: {  	_ =	shalt  }
0x5c: {  	_ =	shalt  }
0x5d: {  	_ =	shalt  }
0x5e: {  	_ =	shalt  }
0x5f: {  	_ =	shalt  }
0x60: {  	_ =	shalt  }
0x61: {  	_ =	shalt  }
0x62: {  	_ =	shalt  }
0x63: {  	_ =	shalt  }
0x64: {  	_ =	shalt  }
0x65: {  	_ =	shalt  }
0x66: {  	_ =	shalt  }
0x67: {  	_ =	shalt  }
0x68: {  	_ =	shalt  }
0x69: {  	_ =	shalt  }
0x6a: {  	_ =	shalt  }
0x6b: {  	_ =	shalt  }
0x6c: {  	_ =	shalt  }
0x6d: {  	_ =	shalt  }
0x6e: {  	_ =	shalt  }
0x6f: {  	_ =	shalt  }
0x70: {  	_ =	shalt  }
0x71: {  	_ =	shalt  }
0x72: {  	_ =	shalt  }
0x73: {  	_ =	shalt  }
0x74: {  	_ =	shalt  }
0x75: {  	_ =	shalt  }
0x76: {  	_ =	shalt  }
0x77: {  	_ =	shalt  }
0x78: {  	_ =	shalt  }
0x79: {  	_ =	shalt  }
0x7a: {  	_ =	shalt  }
0x7b: {  	_ =	shalt  }
0x7c: {  	_ =	shalt  }
0x7d: {  	_ =	shalt  }
0x7e: {  	_ =	shalt  }
0x7f: {  	_ =	shalt  }
0x80: {  	_ =	shalt  }
0x81: {  	_ =	shalt  }
0x82: {  	_ =	shalt  }
0x83: {  	_ =	shalt  }
0x84: {  	_ =	shalt  }
0x85: {  	_ =	shalt  }
0x86: {  	_ =	shalt  }
0x87: {  	_ =	shalt  }
.Lfunc_end0:
.L_simem_size_0:
called_computation_lowered:
.L_overlay_start_0:
0x88: {  	s2 =	sld [smem:$0x3FD9]  }
0x89: {  	s3 =	sld [smem:$0x3FFE];
	_ =	sdelay $0x1  }
0x8a: {  	s1 =	srdreg.scid  }
0x8b: {  	s0 =	sand.u32 $0x1, s1  }
0x8c: {  	s18 =	sshll.u32 s0, $0xA;
	s2 =	sadd.s32 s3, s2  }
0x8d: {  	s2 =	sadd.s32 s2, s18  }
0x8e: {  	[smem:$0x3FC7] =	sst s2  }
0x8f: {  	_ = 	snop  }
0x90: {  	s2 =	sld [smem:$0x3FC9]  }
0x91: {  	s19 =	sld [smem:$0x3FD0];
	(tm) =	ssettm $0x1  }
0x92: {  	s4 =	sld [smem:$0x3FFB];
	_ =	sdelay $0x3  }
0x93: {  	_ =	strace s4  }
0x94: {  	s4 =	sld [smem:$0x3FFC];
	_ =	sdelay $0x3  }
0x95: {  	_ =	strace s4  }
0x96: {  	s4 =	sld [smem:$0x3FFD];
	_ =	sdelay $0x3  }
0x97: {  	_ =	strace s4  }
0x98: {  	_ =	strace $0x8FFFFFFF  }
0x99: {  	s20 =	sld [smem:$0x3FDB];
	_ =	sdelay $0x1  }
0x9a: {  	s5 =	simm.s32 $_scs_section_size  }
0x9b: {  	s6 =	simm.s32 $_size__tile_overlayer_lowered;
	s7 =	simm.s32 $_tile_overlayer_lowered  }
0x9c: {  	s23 =	simm.s32 $0x1BFF;
	s22 =	sshll.u32 s7, $0x1;
	s4 =	sadd.s32 s5, s20  }
0x9d: {  	s8 =	simm.s32 $0x0;
	s21 =	sshll.u32 s6, $0x1;
	s6 =	sadd.s32 s22, s4  }
0x9e: {  	[timem:s8], [sflag:s23] =	dma.local [hbm:s6], s21  }
0x9f: {  	_ =	swait.ge [sflag:s23], s21  }
0xa0: {  	s5 =	ssub.s32 $0x0, s21;
	[sflag:s23] =	ssyncset.done $0x0  }
0xa1: {  	[sflag:s23] =	ssyncadd.s32 s5;
	_ =	sdelay $0x1  }
0xa2: {  	s24 =	simm.s32 $0x1B8B  }
0xa3: {  	_ =	swait.ge [sflag:s24], $0x1  }
0xa4: {  	[sflag:s24] =	ssyncset.done $0x0  }
0xa5: {  	s25 =	simm.s32 $0x1B8E;
	[sflag:s24] =	ssyncadd.s32 $0xFFFFFFFF  }
0xa6: {  	s26 =	simm.s32 $execute0_lowered;
	[smem:$0x3FD2] =	sst s25  }
0xa7: {  	s5 =	sshll.u32 s26, $0x1;
	_ =	strace $0x80000046;
	[dreg:$0x1] =	wrdreg $0xFFFFFFFF  }
0xa8: {  	s28 =	simm.s32 $_size_execute0_lowered;
	s4 =	sadd.s32 s4, s5;
	[dreg:$0x0] =	wrdreg $0x0  }
0xa9: {  	s5 =	sshll.u32 s28, $0x1;
	[dreg:$0x2] =	wrdreg s4  }
0xaa: {  	[dreg:$0x3] =	wrdreg s5  }
0xab: {  	[dreg:$0x4] =	wrdreg $0xC0  }
0xac: {  	_ =	task [dreg:s8], $0x5FFFF  }
0xad: {  	[dreg:$0x1] =	wrdreg $0xFFFFFFFF  }
0xae: {  	[dreg:$0x0] =	wrdreg $0x60  }
0xaf: {  	[dreg:$0x2] =	wrdreg s2  }
0xb0: {  	[dreg:$0x3] =	wrdreg s19  }
0xb1: {  	[dreg:$0x4] =	wrdreg $0x2B000  }
0xb2: {  	[dreg:$0x5] =	wrdreg $0x9  }
0xb3: {  	_ =	task.clear_ibuf [dreg:s8], $0x6FFFF;
	_ =	strace $0x90000046  }
0xb4: {  	s29 =	simm.s32 $0x9;
	_ =	strace $0x80000048  }
0xb5: {  	_ =	swait.ge [sflag:s29], $0x1  }
0xb6: {  	[sflag:s29] =	ssyncadd.s32 $0xFFFFFFFF  }
0xb7: {  	_ =	strace $0x90000048  }
0xb8: {  	_ =	sfence  }
0xb9: {  	s30 =	sld [smem:$0x0];
	_ =	sdelay $0x2  }
0xba: {  	s31 =	sshll.u32 s1, $0xD;
	s1 =	sshrl.u32 s1, $0x2  }
0xbb: {  	s3 =	sand.u32 $0x4000, s31;
	s1 =	sadd.s32 s1, s30  }
0xbc: {  	s0 =	sor.u32 s3, s0;
	s1 =	sshll.u32 s1, $0x11  }
0xbd: {  	s0 =	sor.u32 s1, s0  }
0xbe: {  	s0 =	sadd.s32 $0x8F2B, s0  }
0xbf: {  	[sflag:s0] =	ssyncadd.remote.s32 $0x1  }
0xc0: {  	_ =	sfence.sel $0xFFFF  }
0xc1: {  	[dreg:$0x0] =	wrdreg $0xFFFFFFFF;
	(pc) =	sbr.abs _section_cstart, $3  }
0xc2: {  	[dreg:$0x1] =	wrdreg $0xFFFFFFFF  }
0xc3: {  	_ =	task.clear_ibuf [dreg:s8], $0x2FFFF;
	_ =	strace $0x9FFFFFFF  }
0xc4: {  	(tm) =	ssettm $0x7FFFFFFF  }
0xc5: {  	_ =	shalt  }
tec
execute0_lowered:
.L_overlay_start_1:
0x0: {  	(tag) =	ssettag $0x1  }
0x1: {  	s5 =	rddreg [dreg:$0x0]  }
0x2: {  	s6 =	rddreg [dreg:$0x1]  }
0x3: {  	s1 =	rddreg [dreg:$0x2]  }
0x4: {  	s0 =	rddreg [dreg:$0x3]  }
0x5: {  	s3 =	simm.s32 $0x0;
	s4 =	srdreg.scid;
	s2 =	stileid.u32  }
0x6: {  	s12 =	simm.s32 $0x100;
	s13 =	simm.s32 $0x180;
	s14 =	simm.s32 $0x200  }
0x7: {  	s15 =	simm.s32 $0x280;
	s16 =	simm.s32 $0x300;
	s17 =	simm.s32 $0x380  }
0x8: {  	s18 =	simm.s32 $0x1;
	s21 =	simm.s32 $0x20;
	s22 =	simm.s32 $0x10  }
0x9: {  	s23 =	simm.s32 $0x0;
	[smem:$0x7FF] =	sst s3;
	s9 =	smul.u32 $0x500, s2  }
0xa: {  	s4 =	sand.u32 $0x1, s4;
	s10 =	smul.u32 $0xA00, s2;
	s19 =	sshll.u32 s2, $0x6  }
0xb: {  	_ =	strace $0x80000047;
	s7 =	ssub.s32 $0x2, s4;
	s8 =	sshll.u32 s4, $0x4  }
0xc: {  	s4 =	sshll.u32 s4, $0x7;
	s19 =	sor.u32 $0x1C02, s19;
	s8 =	sor.u32 s2, s8  }
0xd: {  	s11 =	sshrl.u32 s7, $0x1;
	s4 =	sor.u32 s4, s9;
	s30 =	sshrl.u32 s10, $0x2  }
0xe: {  	s9 =	simm.s32 $0x2;
	s10 =	simm.s32 $0x80;
	s8 =	smul.u32 $0x500, s8  }
0xf: {  	s7 =	ssub.s32 s7, s11;
	s31 =	sshrl.u32 s4, $0x3;
	s4 =	sadd.s32 s30, s1  }
0x10: {  	s11 =	simm.s32 $0x2800;
	s6 =	sadd.s32 s6, s31;
	s7 =	smax.u32 s7, $0x1  }
0x11: {  	v0 =	vimm.f32 $0.0e+00;
	v1 =	vimm.f32 $1.000000000e+00;
	s20 =	sshrl.u32 s4, $0x3;
	s5 =	sadd.s32 s5, s8;
	s8 =	simm.s32 $0x2880  }
.LBB2_1:
0x12: {  	[tilespmem:$0x2880] =	vst v0  }
0x13: {  	[tilespmem:$0x2890] =	vst v0  }
0x14: {  	[tilespmem:$0x28A0] =	vst v0  }
0x15: {  	[tilespmem:$0x28B0] =	vst v0  }
0x16: {  	[tilespmem:$0x28C0] =	vst v0  }
0x17: {  	[tilespmem:$0x28D0] =	vst v0  }
0x18: {  	[tilespmem:$0x28E0] =	vst v0  }
0x19: {  	[tilespmem:$0x28F0] =	vst v0  }
0x1a: {  	[tilespmem:$0x2900] =	vst v0  }
0x1b: {  	[tilespmem:$0x2910] =	vst v0  }
0x1c: {  	[tilespmem:$0x2920] =	vst v0  }
0x1d: {  	[tilespmem:$0x2930] =	vst v0  }
0x1e: {  	[tilespmem:$0x2940] =	vst v0  }
0x1f: {  	[tilespmem:$0x2950] =	vst v0  }
0x20: {  	[tilespmem:$0x2960] =	vst v0  }
0x21: {  	[tilespmem:$0x2970] =	vst v0  }
0x22: {  	[tilespmem:$0x2980] =	vst v0  }
0x23: {  	[tilespmem:$0x2990] =	vst v0  }
0x24: {  	[tilespmem:$0x29A0] =	vst v0  }
0x25: {  	[tilespmem:$0x29B0] =	vst v0  }
0x26: {  	[tilespmem:$0x29C0] =	vst v0  }
0x27: {  	[tilespmem:$0x29D0] =	vst v0  }
0x28: {  	[tilespmem:$0x29E0] =	vst v0  }
0x29: {  	[tilespmem:$0x29F0] =	vst v0  }
0x2a: {  	[tilespmem:$0x2A00] =	vst v0  }
0x2b: {  	[tilespmem:$0x2A10] =	vst v0  }
0x2c: {  	[tilespmem:$0x2A20] =	vst v0  }
0x2d: {  	[tilespmem:$0x2A30] =	vst v0  }
0x2e: {  	[tilespmem:$0x2A40] =	vst v0  }
0x2f: {  	[tilespmem:$0x2A50] =	vst v0  }
0x30: {  	[tilespmem:$0x2A60] =	vst v0  }
0x31: {  	[tilespmem:$0x2A70] =	vst v0  }
0x32: {  	[tilespmem:$0x2A80] =	vst v0  }
0x33: {  	[tilespmem:$0x2A90] =	vst v0  }
0x34: {  	[tilespmem:$0x2AA0] =	vst v0  }
0x35: {  	[tilespmem:$0x2AB0] =	vst v0  }
0x36: {  	[tilespmem:$0x2AC0] =	vst v0  }
0x37: {  	[tilespmem:$0x2AD0] =	vst v0  }
0x38: {  	[tilespmem:$0x2AE0] =	vst v0  }
0x39: {  	[tilespmem:$0x2AF0] =	vst v0  }
0x3a: {  	[tilespmem:$0x2800] =	vst v1  }
0x3b: {  	[tilespmem:$0x2810] =	vst v1  }
0x3c: {  	[tilespmem:$0x2820] =	vst v1  }
0x3d: {  	[tilespmem:$0x2830] =	vst v1  }
0x3e: {  	[tilespmem:$0x2840] =	vst v1  }
0x3f: {  	[tilespmem:$0x2850] =	vst v1  }
0x40: {  	[tilespmem:$0x2860] =	vst v1  }
0x41: {  	[tilespmem:$0x2870] =	vst v1  }
0x42: {  	[spmem:s4] =	stream.linear.scatter [tilespmem:s8], [sflag:$0x2], $0x280, $0x38;
	[tilespmem:$0x2D80] =	vst v63  }
0x43: {  	_ =	swait.ge [sflag:s9], $0x280  }
0x44: {  	[sflag:s9] =	ssyncset.done $0x0  }
0x45: {  	[sflag:s9] =	ssyncadd.s32 $0xFFFFFD80  }
0x46: {  	[tilespmem:s3], [sflag:$0x2] =	stream.linear.gather [hbm4b:s5+s3], $0x2800, $0x38;
	[tilespmem:$0x2D80] =	vst v63  }
0x47: {  	_ =	swait.ge [sflag:s9], $0x2800  }
0x48: {  	[sflag:s9] =	ssyncset.done $0x0  }
0x49: {  	[sflag:s9] =	ssyncadd.s32 $0xFFFFD800  }
0x4a: {  	[bflag:$0x0] =	sbarrier.arrive $0xFFFF  }
0x4b: {  	[spmem:s1] =	stream.indirect.scatter.add.f32 [tilespmem:s11], [sflag:$0x1], $0x1, s3, s10, $0xb8;
	[tilespmem:$0x2D80] =	vst v63  }
0x4c: {  	_ = 	snop  }
0x4d: {  	[spmem:s1] =	stream.indirect.scatter.add.f32 [tilespmem:s11], [sflag:$0x1], $0x1, s10, s10, $0xb8;
	[tilespmem:$0x2D80] =	vst v63  }
0x4e: {  	_ = 	snop  }
0x4f: {  	[spmem:s1] =	stream.indirect.scatter.add.f32 [tilespmem:s11], [sflag:$0x1], $0x1, s12, s10, $0xb8;
	[tilespmem:$0x2D80] =	vst v63  }
0x50: {  	_ = 	snop  }
0x51: {  	[spmem:s1] =	stream.indirect.scatter.add.f32 [tilespmem:s11], [sflag:$0x1], $0x1, s13, s10, $0xb8;
	[tilespmem:$0x2D80] =	vst v63  }
0x52: {  	_ = 	snop  }
0x53: {  	[spmem:s1] =	stream.indirect.scatter.add.f32 [tilespmem:s11], [sflag:$0x1], $0x1, s14, s10, $0xb8;
	[tilespmem:$0x2D80] =	vst v63  }
0x54: {  	_ = 	snop  }
0x55: {  	[spmem:s1] =	stream.indirect.scatter.add.f32 [tilespmem:s11], [sflag:$0x1], $0x1, s15, s10, $0xb8;
	[tilespmem:$0x2D80] =	vst v63  }
0x56: {  	_ = 	snop  }
0x57: {  	[spmem:s1] =	stream.indirect.scatter.add.f32 [tilespmem:s11], [sflag:$0x1], $0x1, s16, s10, $0xb8;
	[tilespmem:$0x2D80] =	vst v63  }
0x58: {  	_ = 	snop  }
0x59: {  	[spmem:s1] =	stream.indirect.scatter.add.f32 [tilespmem:s11], [sflag:$0x1], $0x1, s17, s10, $0xb8;
	[tilespmem:$0x2D80] =	vst v63  }
0x5a: {  	_ =	swait.ge [sflag:s18], $0x80  }
0x5b: {  	[sflag:s18] =	ssyncset.done $0x0  }
0x5c: {  	s24 =	simm.s32 $0x1200;
	s25 =	simm.s32 $0x400;
	[sflag:s18] =	ssyncadd.s32 $0xFFFFFF80  }
.LBB2_2:
0x5d: {  	[spmem:s1] =	stream.indirect.scatter.add.f32 [tilespmem:s11], [sflag:$0x1], $0x1, s25, s10, $0xb8;
	[tilespmem:$0x2D80] =	vst v63  }
0x5e: {  	s25 =	smov.u32 s24;
	p0 =	sne.s32 s24, $0x9E00  }
.Ltmp0:
0x5f: {  	s24 =	sadd.s32 $0x200, s24;
	(pc) =	sbr.rel @p0 .LBB2_2-.Ltmp0, $4  }
0x60: {  	_ = 	snop  }
0x61: {  	_ =	swait.ge [sflag:s18], $0x80  }
0x62: {  	[sflag:s18] =	ssyncset.done $0x0  }
0x63: {  	s25 =	sshra.s32 s25, $0x2;
	[sflag:s18] =	ssyncadd.s32 $0xFFFFFF80  }
0x64: {  	[spmem:s1] =	stream.indirect.scatter.add.f32 [tilespmem:s11], [sflag:$0x1], $0x1, s25, s10, $0xb8;
	[tilespmem:$0x2D80] =	vst v63  }
0x65: {  	_ =	swait.ge [sflag:s18], $0x80  }
0x66: {  	[sflag:s18] =	ssyncset.done $0x0  }
0x67: {  	[sflag:s18] =	ssyncadd.s32 $0xFFFFFF80  }
0x68: {  	_ =	swait.ge [sflag:s18], $0x80  }
0x69: {  	[sflag:s18] =	ssyncset.done $0x0  }
0x6a: {  	[sflag:s18] =	ssyncadd.s32 $0xFFFFFF80  }
0x6b: {  	_ =	swait.ge [sflag:s18], $0x80  }
0x6c: {  	[sflag:s18] =	ssyncset.done $0x0  }
0x6d: {  	[sflag:s18] =	ssyncadd.s32 $0xFFFFFF80  }
0x6e: {  	_ =	swait.ge [sflag:s18], $0x80  }
0x6f: {  	[sflag:s18] =	ssyncset.done $0x0  }
0x70: {  	[sflag:s18] =	ssyncadd.s32 $0xFFFFFF80  }
0x71: {  	_ =	swait.ge [sflag:s18], $0x80  }
0x72: {  	[sflag:s18] =	ssyncset.done $0x0  }
0x73: {  	[sflag:s18] =	ssyncadd.s32 $0xFFFFFF80  }
0x74: {  	_ =	swait.ge [sflag:s18], $0x80  }
0x75: {  	[sflag:s18] =	ssyncset.done $0x0  }
0x76: {  	[sflag:s18] =	ssyncadd.s32 $0xFFFFFF80  }
0x77: {  	_ =	swait.ge [sflag:s18], $0x80  }
0x78: {  	[sflag:s18] =	ssyncset.done $0x0  }
0x79: {  	[sflag:s18] =	ssyncadd.s32 $0xFFFFFF80  }
0x7a: {  	_ =	swait.ge [sflag:s18], $0x80  }
0x7b: {  	s23 =	sadd.s32 $0x1, s23;
	[sflag:s18] =	ssyncset.done $0x0  }
0x7c: {  	p0 =	sne.s32 s23, s7;
	[sflag:s18] =	ssyncadd.s32 $0xFFFFFF80  }
.Ltmp1:
0x7d: {  	[bflag:$0x0] =	sbarrier.arrive $0xFFFF;
	(pc) =	sbr.rel @p0 .LBB2_1-.Ltmp1, $4  }
0x7e: {  	[hbm:s6@s21], [sflag:s19] =	dma.strided [spmem:s20@s22], $0x50, s18, $0x10   }
0x7f: {  	_ =	swait.ge [sflag:s9], $0x50  }
0x80: {  	[sflag:s9] =	ssyncset.done $0x0  }
0x81: {  	[sflag:s9] =	ssyncadd.s32 $0xFFFFFFB0  }
0x82: {  	_ =	sfence.sel $0x180000  }
0x83: {  	[bflag:$0x0] =	sbarrier.arrive $0xFFFF  }
0x84: {  	p0 =	sne.s32 s2, $0x0;
	_ =	strace $0x90000047  }
0x85: {  	s0 =	sadd.s32 @!p0 $0x100000, s0;
	[bflag:$0x2] =	sbarrier.arrive $0xFFFF  }
0x86: {  	[sflag:s0] =	ssyncadd.tile.s32 @!p0 $0x1;
	_ =	shalt  }
.Lfunc_end2:
_tile_overlayer_lowered:
.L_overlay_start_2:
0x87: {  	(tag) =	ssettag $0x2  }
0x88: {  	s0 =	rddreg [dreg:$0x0];
	s2 =	stileid.u32  }
0x89: {  	s1 =	rddreg [dreg:$0x1];
	p0 =	sne.s32 s2, $0x0  }
0x8a: {  	s3 =	rddreg [dreg:$0x2];
	[bflag:$0x3] =	sbarrier.arrive $0xFFFF;
	s2 =	simm.s32 @!p0 $0x1C02  }
0x8b: {  	[timem:s3], [sflag:s2] =	dma.local @!p0 [hbm:s0], s1  }
0x8c: {  	s0 =	simm.s32 @!p0 $0x2  }
0x8d: {  	_ =	swait.ge @!p0 [sflag:s0], s1  }
0x8e: {  	s1 =	ssub.s32 @!p0 $0x0, s1;
	[sflag:s0] =	ssyncset.done @!p0 $0x0  }
0x8f: {  	[sflag:s0] =	ssyncadd.s32 @!p0 s1  }
0x90: {  	[bflag:$0x3] =	sbarrier.arrive $0xFFFF  }
0x91: {  	_ =	shalt  }

</sc_bundles>
